<compile_context>
chip_gen: v7x
topology: tpu7x:2x2x1
jax: 0.10.2.dev20260603
libtpu: 0.0.44.dev20260713+nightly
codegen_flags: <defaults>
</compile_context>

<pallas_src>
import functools

import jax
import jax.numpy as jnp
from jax import lax
from jax.experimental import pallas as pl
from jax.experimental.pallas import tpu as pltpu
from jax.experimental.pallas import tpu_sc as plsc

_COMMITMENT_COST = 0.25

_T = 1024
_KT = 2048
_BS = 128


def _argmin_body(zf_ref, c_ref, z2_ref, c2_ref, idx_ref, dsum_ref):
    zt = zf_ref[...].T
    z2 = z2_ref[...]
    nk = c_ref.shape[0] // _KT
    rowf = lax.broadcasted_iota(jnp.int32, (_KT, _T), 0).astype(jnp.float32)
    rmin = None
    for k in range(nk):
        c = c_ref[k * _KT:(k + 1) * _KT, :]
        mm2 = jnp.dot(c, zt,
                      preferred_element_type=jnp.float32)
        c2 = c2_ref[k * _KT:(k + 1) * _KT, :]
        dist = (z2 + c2) - mm2
        tmin = jnp.min(dist, axis=0, keepdims=True)
        cand = jnp.where(dist == tmin, rowf, float(_KT))
        tidx = (jnp.min(cand, axis=0, keepdims=True).astype(jnp.int32)
                + k * _KT)
        if rmin is None:
            rtrue, ridx = tmin, tidx
            rmin = tmin.astype(jnp.bfloat16).astype(jnp.float32)
        else:
            better = (tmin < rmin) | ((tmin == rmin) & (tidx < ridx))
            ridx = jnp.where(better, tidx, ridx)
            rtrue = jnp.where(better, tmin, rtrue)
            rmin = jnp.where(better, tmin, rmin)
            rmin = rmin.astype(jnp.bfloat16).astype(jnp.float32)
    idx_ref[...] = ridx[None]
    dsum_ref[0, 0, 0] = jnp.sum(rtrue)


def _build_argmin(n_tok, n_emb, dim):
    grid = (n_tok // _T,)
    return pl.pallas_call(
        _argmin_body,
        grid=grid,
        in_specs=[
            pl.BlockSpec((_T, dim), lambda i: (i, 0)),
            pl.BlockSpec((n_emb, dim), lambda i: (0, 0)),
            pl.BlockSpec((1, _T), lambda i: (0, i)),
            pl.BlockSpec((n_emb, 1), lambda i: (0, 0)),
        ],
        out_specs=[
            pl.BlockSpec((1, 1, _T), lambda i: (i, 0, 0)),
            pl.BlockSpec((1, 1, 1), lambda i: (i, 0, 0),
                         memory_space=pltpu.SMEM),
        ],
        out_shape=[
            jax.ShapeDtypeStruct((n_tok // _T, 1, _T), jnp.int32),
            jax.ShapeDtypeStruct((n_tok // _T, 1, 1), jnp.float32),
        ],
        compiler_params=pltpu.CompilerParams(
            dimension_semantics=("parallel",)),
    )


_DPAD = 128


def _build_sc_gather(n_tok, dim):
    info = plsc.get_sparse_core_info()
    nc, ns = info.num_cores, info.num_subcores
    nw = nc * ns
    bpw = n_tok // nw
    ch = min(bpw, 128)
    nch = bpw // ch

    @functools.partial(
        pl.kernel,
        out_type=jax.ShapeDtypeStruct((n_tok, _DPAD), jnp.float32),
        mesh=plsc.VectorSubcoreMesh(core_axis_name="c", subcore_axis_name="s"),
        scratch_types=[
            pltpu.VMEM((bpw,), jnp.int32),
            pltpu.VMEM((bpw, _DPAD), jnp.float32),
            pltpu.SemaphoreType.DMA,
        ],
    )
    def sc_gather(table_hbm, idx_hbm, out_hbm, idx_v, rows_v, sem):
        wid = lax.axis_index("s") * nc + lax.axis_index("c")
        base = wid * bpw
        pltpu.sync_copy(idx_hbm.at[pl.ds(base, bpw)], idx_v)
        copies = []
        for c in range(nch):
            copies.append(pltpu.async_copy(
                table_hbm.at[idx_v.at[pl.ds(c * ch, ch)]],
                rows_v.at[pl.ds(c * ch, ch)], sem))
        for cp in copies:
            cp.wait()
        pltpu.sync_copy(rows_v, out_hbm.at[pl.ds(base, bpw)])

    return sc_gather


def kernel(z, codebook):
    b, cdim, h, w = z.shape
    n_emb, dim = codebook.shape
    zf = z.reshape(-1, cdim)
    n_tok = zf.shape[0]
    z2 = jnp.sum(zf ** 2, axis=1)
    c2 = jnp.sum(codebook ** 2, axis=1)

    idx3, dsums = _build_argmin(n_tok, n_emb, dim)(
        zf, codebook + codebook, z2[None, :], c2[:, None])
    idx = idx3.reshape(n_tok)

    table_pad = jnp.pad(codebook, ((0, 0), (0, _DPAD - dim)))
    q = _build_sc_gather(n_tok, dim)(table_pad, idx)
    quantized_out = q[:, :dim].reshape(z.shape)

    m = jnp.sum(dsums) / z.size
    loss = _COMMITMENT_COST * m + m
    return quantized_out, loss

# --- scband reference (transcript-rebuilt; emitter-appended) ---
"""Pipeline reference for scband-vector-quantizer-78443282694565 (READ-ONLY COPY).

The authoritative reference and input builder live on the scoring server;
editing this copy changes nothing except your own understanding.
"""

import jax, jax.numpy as jnp
import numpy as np

NUM_EMBEDDINGS = 8192
EMBEDDING_DIM = 32
COMMITMENT_COST = 0.25


def setup_inputs(seed: int = 0) -> dict:
    key = jax.random.key(seed)
    k1, k2 = jax.random.split(key)
    z = jax.random.normal(k1, (8, EMBEDDING_DIM, 32, 32), dtype=jnp.float32)
    codebook = jax.random.uniform(
        k2, (NUM_EMBEDDINGS, EMBEDDING_DIM),
        minval=-1.0 / NUM_EMBEDDINGS, maxval=1.0 / NUM_EMBEDDINGS,
        dtype=jnp.float32)
    return {"z": z, "codebook": codebook}


def reference(z, codebook):
    # z: (B, C, H, W) with C == EMBEDDING_DIM
    B, C, H, W = z.shape
    z_flattened = z.reshape(-1, C)
    distances = (jnp.sum(z_flattened ** 2, axis=1, keepdims=True)
                 + jnp.sum(codebook ** 2, axis=1)
                 - 2.0 * jnp.matmul(z_flattened, codebook.T))
    encoding_indices = jnp.argmin(distances, axis=1)
    # one-hot @ codebook in the torch code is mathematically a gather:
    quantized = jnp.take(codebook, encoding_indices, axis=0).reshape(z.shape)
    commitment_loss = COMMITMENT_COST * jnp.mean((jax.lax.stop_gradient(z) - quantized) ** 2)
    codebook_loss = jnp.mean((z - jax.lax.stop_gradient(quantized)) ** 2)
    quantized_out = z + jax.lax.stop_gradient(quantized - z)
    return quantized_out, commitment_loss + codebook_loss

if __name__ == "__main__":
    import jax
    _d = setup_inputs()
    print(jax.jit(kernel)(*tuple(_d.values())))

</pallas_src>

<mosaic_0001>
#map = affine_map<(d0, d1) -> (0, 0)>
#map1 = affine_map<(d0, d1) -> (0)>
module attributes {stable_mosaic.version = 14 : i64} {
  func.func @sc_gather(%arg0: i32, %arg1: i32, %arg2: memref<8192x128xf32, #tpu.memory_space<hbm>>, %arg3: memref<8192xi32, #tpu.memory_space<hbm>>, %arg4: memref<8192x128xf32, #tpu.memory_space<hbm>>, %arg5: memref<256xi32, #tpu.memory_space<vmem>>, %arg6: memref<256x128xf32, #tpu.memory_space<vmem>>, %arg7: memref<!tpu.dma_semaphore, #tpu.memory_space<semaphore_mem>>) attributes {dimension_semantics = [#tpu.dimension_semantics<core_parallel>, #tpu.dimension_semantics<subcore_parallel>], iteration_bounds = array<i64: 2, 16>, scalar_prefetch = 0 : i64, scratch_operands = 3 : i64, tpu.core_type = #tpu.core_type<sc_vector_subcore>, window_params = [{transform_indices = #map}, {transform_indices = #map1}, {transform_indices = #map}]} {
    %mul3A = arith.constant 2 : i32
    %mul3A_0 = arith.muli %arg1, %mul3A : i32
    %add3A = arith.addi %mul3A_0, %arg0 : i32
    %mul3A_1 = arith.constant 256 : i32
    %mul3A_2 = arith.muli %add3A, %mul3A_1 : i32
    "tpu.region"() ({
      %run_scoped3A = tpu.sem_alloc : memref<!tpu.dma_semaphore, #tpu.memory_space<semaphore_mem>>
      %dma_start3A_33 = tpu.memref_slice %arg3[%mul3A_2] : memref<8192xi32, #tpu.memory_space<hbm>> -> memref<256xi32, #tpu.memory_space<hbm>>
      %dma_start3A_34 = tpu.memref_slice %arg3[%mul3A_2] : memref<8192xi32, #tpu.memory_space<hbm>> -> memref<256xi32, #tpu.memory_space<hbm>>
      tpu.enqueue_dma source(%dma_start3A_34 : memref<256xi32, #tpu.memory_space<hbm>>) target(%arg5 : memref<256xi32, #tpu.memory_space<vmem>>) target_semaphore(%run_scoped3A : memref<!tpu.dma_semaphore, #tpu.memory_space<semaphore_mem>>)
      %dma_wait3A_35 = tpu.memref_slice %arg3[%mul3A_2] : memref<8192xi32, #tpu.memory_space<hbm>> -> memref<256xi32, #tpu.memory_space<hbm>>
      %dma_wait3A_36 = tpu.memref_slice %arg3[%mul3A_2] : memref<8192xi32, #tpu.memory_space<hbm>> -> memref<256xi32, #tpu.memory_space<hbm>>
      tpu.wait_dma2 semaphore(%run_scoped3A : memref<!tpu.dma_semaphore, #tpu.memory_space<semaphore_mem>>) src(%dma_wait3A_36 : memref<256xi32, #tpu.memory_space<hbm>>) dst(%arg5 : memref<256xi32, #tpu.memory_space<vmem>>)
      tpu.yield
    }) : () -> ()
    %dma_start3A = arith.constant 0 : i32
    %dma_start3A_3 = arith.constant 0 : i32
    %dma_start3A_4 = tpu.memref_slice %arg6[%dma_start3A, %dma_start3A_3] : memref<256x128xf32, #tpu.memory_space<vmem>> -> memref<128x128xf32, #tpu.memory_space<vmem>>
    %dma_start3A_5 = arith.constant 0 : i32
    %dma_start3A_6 = tpu.memref_slice %arg5[%dma_start3A_5] : memref<256xi32, #tpu.memory_space<vmem>> -> memref<128xi32, #tpu.memory_space<vmem>>
    %dma_start3A_7 = arith.constant 0 : i32
    %dma_start3A_8 = arith.constant 0 : i32
    %dma_start3A_9 = tpu.memref_slice %arg2[%dma_start3A_7, %dma_start3A_8] : memref<8192x128xf32, #tpu.memory_space<hbm>> -> memref<8192x128xf32, #tpu.memory_space<hbm>>
    tpu.enqueue_indirect_dma source(%dma_start3A_9 : memref<8192x128xf32, #tpu.memory_space<hbm>>) target(%dma_start3A_4 : memref<128x128xf32, #tpu.memory_space<vmem>>) offsets(%dma_start3A_6 : memref<128xi32, #tpu.memory_space<vmem>>) semaphore(%arg7 : memref<!tpu.dma_semaphore, #tpu.memory_space<semaphore_mem>>)
    %dma_start3A_10 = arith.constant 128 : i32
    %dma_start3A_11 = arith.constant 0 : i32
    %dma_start3A_12 = tpu.memref_slice %arg6[%dma_start3A_10, %dma_start3A_11] : memref<256x128xf32, #tpu.memory_space<vmem>> -> memref<128x128xf32, #tpu.memory_space<vmem>>
    %dma_start3A_13 = arith.constant 128 : i32
    %dma_start3A_14 = tpu.memref_slice %arg5[%dma_start3A_13] : memref<256xi32, #tpu.memory_space<vmem>> -> memref<128xi32, #tpu.memory_space<vmem>>
    %dma_start3A_15 = arith.constant 0 : i32
    %dma_start3A_16 = arith.constant 0 : i32
    %dma_start3A_17 = tpu.memref_slice %arg2[%dma_start3A_15, %dma_start3A_16] : memref<8192x128xf32, #tpu.memory_space<hbm>> -> memref<8192x128xf32, #tpu.memory_space<hbm>>
    tpu.enqueue_indirect_dma source(%dma_start3A_17 : memref<8192x128xf32, #tpu.memory_space<hbm>>) target(%dma_start3A_12 : memref<128x128xf32, #tpu.memory_space<vmem>>) offsets(%dma_start3A_14 : memref<128xi32, #tpu.memory_space<vmem>>) semaphore(%arg7 : memref<!tpu.dma_semaphore, #tpu.memory_space<semaphore_mem>>)
    %dma_wait3A = arith.constant 0 : i32
    %dma_wait3A_18 = arith.constant 0 : i32
    %dma_wait3A_19 = tpu.memref_slice %arg6[%dma_wait3A, %dma_wait3A_18] : memref<256x128xf32, #tpu.memory_space<vmem>> -> memref<128x128xf32, #tpu.memory_space<vmem>>
    %dma_wait3A_20 = arith.constant 0 : i32
    %dma_wait3A_21 = tpu.memref_slice %arg5[%dma_wait3A_20] : memref<256xi32, #tpu.memory_space<vmem>> -> memref<128xi32, #tpu.memory_space<vmem>>
    %dma_wait3A_22 = arith.constant 0 : i32
    %dma_wait3A_23 = arith.constant 0 : i32
    %dma_wait3A_24 = tpu.memref_slice %arg2[%dma_wait3A_22, %dma_wait3A_23] : memref<8192x128xf32, #tpu.memory_space<hbm>> -> memref<8192x128xf32, #tpu.memory_space<hbm>>
    tpu.wait_indirect_dma semaphore(%arg7 : memref<!tpu.dma_semaphore, #tpu.memory_space<semaphore_mem>>) src(%dma_wait3A_24 : memref<8192x128xf32, #tpu.memory_space<hbm>>) dst(%dma_wait3A_19 : memref<128x128xf32, #tpu.memory_space<vmem>>)
    %dma_wait3A_25 = arith.constant 128 : i32
    %dma_wait3A_26 = arith.constant 0 : i32
    %dma_wait3A_27 = tpu.memref_slice %arg6[%dma_wait3A_25, %dma_wait3A_26] : memref<256x128xf32, #tpu.memory_space<vmem>> -> memref<128x128xf32, #tpu.memory_space<vmem>>
    %dma_wait3A_28 = arith.constant 128 : i32
    %dma_wait3A_29 = tpu.memref_slice %arg5[%dma_wait3A_28] : memref<256xi32, #tpu.memory_space<vmem>> -> memref<128xi32, #tpu.memory_space<vmem>>
    %dma_wait3A_30 = arith.constant 0 : i32
    %dma_wait3A_31 = arith.constant 0 : i32
    %dma_wait3A_32 = tpu.memref_slice %arg2[%dma_wait3A_30, %dma_wait3A_31] : memref<8192x128xf32, #tpu.memory_space<hbm>> -> memref<8192x128xf32, #tpu.memory_space<hbm>>
    tpu.wait_indirect_dma semaphore(%arg7 : memref<!tpu.dma_semaphore, #tpu.memory_space<semaphore_mem>>) src(%dma_wait3A_32 : memref<8192x128xf32, #tpu.memory_space<hbm>>) dst(%dma_wait3A_27 : memref<128x128xf32, #tpu.memory_space<vmem>>)
    "tpu.region"() ({
      %run_scoped3A = tpu.sem_alloc : memref<!tpu.dma_semaphore, #tpu.memory_space<semaphore_mem>>
      %dma_start3A_33 = arith.constant 0 : i32
      %dma_start3A_34 = tpu.memref_slice %arg4[%mul3A_2, %dma_start3A_33] : memref<8192x128xf32, #tpu.memory_space<hbm>> -> memref<256x128xf32, #tpu.memory_space<hbm>>
      %dma_start3A_35 = arith.constant 0 : i32
      %dma_start3A_36 = tpu.memref_slice %arg4[%mul3A_2, %dma_start3A_35] : memref<8192x128xf32, #tpu.memory_space<hbm>> -> memref<256x128xf32, #tpu.memory_space<hbm>>
      tpu.enqueue_dma source(%arg6 : memref<256x128xf32, #tpu.memory_space<vmem>>) target(%dma_start3A_36 : memref<256x128xf32, #tpu.memory_space<hbm>>) target_semaphore(%run_scoped3A : memref<!tpu.dma_semaphore, #tpu.memory_space<semaphore_mem>>)
      %dma_wait3A_37 = arith.constant 0 : i32
      %dma_wait3A_38 = tpu.memref_slice %arg4[%mul3A_2, %dma_wait3A_37] : memref<8192x128xf32, #tpu.memory_space<hbm>> -> memref<256x128xf32, #tpu.memory_space<hbm>>
      %dma_wait3A_39 = arith.constant 0 : i32
      %dma_wait3A_40 = tpu.memref_slice %arg4[%mul3A_2, %dma_wait3A_39] : memref<8192x128xf32, #tpu.memory_space<hbm>> -> memref<256x128xf32, #tpu.memory_space<hbm>>
      tpu.wait_dma2 semaphore(%run_scoped3A : memref<!tpu.dma_semaphore, #tpu.memory_space<semaphore_mem>>) src(%arg6 : memref<256x128xf32, #tpu.memory_space<vmem>>) dst(%dma_wait3A_40 : memref<256x128xf32, #tpu.memory_space<hbm>>)
      tpu.yield
    }) : () -> ()
    return
  }
}

module attributes {stable_mosaic.version = 14 : i64} {
  func.func @_argmin_body(%arg0: i32, %arg1: memref<1024x32xf32, #tpu.memory_space<vmem>>, %arg2: memref<8192x32xf32, #tpu.memory_space<vmem>>, %arg3: memref<1x1024xf32, #tpu.memory_space<vmem>>, %arg4: memref<8192x1xf32, #tpu.memory_space<vmem>>, %arg5: memref<1x1x1024xi32, #tpu.memory_space<vmem>>, %arg6: memref<1x1x1xf32, #tpu.memory_space<smem>>) attributes {dimension_semantics = [#tpu.dimension_semantics<parallel>], iteration_bounds = array<i64: 8>, scalar_prefetch = 0 : i64, scratch_operands = 0 : i64, tpu.core_type = #tpu.core_type<tc>, window_params = [{transform_indices = @transform_0, window_bounds = array<i64: 1024, 32>}, {pipeline_mode = #tpu.pipeline_mode<synchronous>, transform_indices = @transform_1, window_bounds = array<i64: 8192, 32>}, {transform_indices = @transform_2, window_bounds = array<i64: 1, 1024>}, {pipeline_mode = #tpu.pipeline_mode<synchronous>, transform_indices = @transform_3, window_bounds = array<i64: 8192, 1>}, {transform_indices = @transform_4, window_bounds = array<i64: 1, 1, 1024>}, {transform_indices = @transform_5, window_bounds = array<i64: 1, 1, 1>}]} {
    %get3A = arith.constant 0 : index
    %get3A_0 = arith.constant 0 : index
    %get3A_1 = vector.load %arg1[%get3A, %get3A_0] : memref<1024x32xf32, #tpu.memory_space<vmem>>, vector<1024x32xf32>
    %transpose3A = tpu.transpose %get3A_1, [1, 0] : vector<1024x32xf32> -> vector<32x1024xf32>
    %get3A_2 = arith.constant 0 : index
    %get3A_3 = arith.constant 0 : index
    %get3A_4 = vector.load %arg3[%get3A_2, %get3A_3] : memref<1x1024xf32, #tpu.memory_space<vmem>>, vector<1x1024xf32>
    %iota3A = tpu.iota {dimensions = array<i32: 0>} : vector<2048x1024xi32>
    %convert_element_type3A = arith.sitofp %iota3A : vector<2048x1024xi32> to vector<2048x1024xf32>
    %get3A_5 = arith.constant 0 : index
    %get3A_6 = arith.constant 0 : index
    %get3A_7 = vector.load %arg2[%get3A_5, %get3A_6] : memref<8192x32xf32, #tpu.memory_space<vmem>>, vector<2048x32xf32>
    %dot_general3A = arith.constant dense<0.000000e+00> : vector<2048x1024xf32>
    %dot_general3A_8 = tpu.matmul %get3A_7, %transpose3A, %dot_general3A {dimension_numbers = #tpu.dot_dimension_numbers<[1], [0], [0], [1], [0, 0, 1, 1], [], []>, transpose_lhs_hint = false} : vector<2048x32xf32>, vector<32x1024xf32>, vector<2048x1024xf32> -> vector<2048x1024xf32>
    %get3A_9 = arith.constant 0 : index
    %get3A_10 = arith.constant 0 : index
    %get3A_11 = vector.load %arg4[%get3A_9, %get3A_10] : memref<8192x1xf32, #tpu.memory_space<vmem>>, vector<2048x1xf32>
    %add3A = vector.broadcast %get3A_4 : vector<1x1024xf32> to vector<2048x1024xf32>
    %add3A_12 = vector.broadcast %get3A_11 : vector<2048x1xf32> to vector<2048x1024xf32>
    %add3A_13 = arith.addf %add3A, %add3A_12 : vector<2048x1024xf32>
    %sub3A = arith.subf %add3A_13, %dot_general3A_8 : vector<2048x1024xf32>
    %reduce_min3A = arith.constant dense<0x7F800000> : vector<1024xf32>
    %reduce_min3A_14 = vector.multi_reduction <minimumf>, %sub3A, %reduce_min3A [0] : vector<2048x1024xf32> to vector<1024xf32>
    %broadcast_in_dim3A = vector.shape_cast %reduce_min3A_14 : vector<1024xf32> to vector<1x1024xf32>
    %eq3A = vector.broadcast %broadcast_in_dim3A : vector<1x1024xf32> to vector<2048x1024xf32>
    %eq3A_15 = arith.cmpf oeq, %sub3A, %eq3A : vector<2048x1024xf32>
    %jit3A = arith.constant 2.048000e+03 : f32
    %broadcast_in_dim3A_16 = vector.broadcast %jit3A : f32 to vector<2048x1024xf32>
    %select_n3A = arith.select %eq3A_15, %convert_element_type3A, %broadcast_in_dim3A_16 : vector<2048x1024xi1>, vector<2048x1024xf32>
    %reduce_min3A_17 = arith.constant dense<0x7F800000> : vector<1024xf32>
    %reduce_min3A_18 = vector.multi_reduction <minimumf>, %select_n3A, %reduce_min3A_17 [0] : vector<2048x1024xf32> to vector<1024xf32>
    %broadcast_in_dim3A_19 = vector.shape_cast %reduce_min3A_18 : vector<1024xf32> to vector<1x1024xf32>
    %convert_element_type3A_20 = arith.fptosi %broadcast_in_dim3A_19 : vector<1x1024xf32> to vector<1x1024xi32>
    %add3A_21 = arith.constant 0 : i32
    %add3A_22 = vector.broadcast %add3A_21 : i32 to vector<1x1024xi32>
    %add3A_23 = arith.addi %convert_element_type3A_20, %add3A_22 : vector<1x1024xi32>
    %convert_element_type3A_24 = arith.truncf %broadcast_in_dim3A : vector<1x1024xf32> to vector<1x1024xbf16>
    %convert_element_type3A_25 = arith.extf %convert_element_type3A_24 : vector<1x1024xbf16> to vector<1x1024xf32>
    %get3A_26 = arith.constant 2048 : index
    %get3A_27 = arith.constant 0 : index
    %get3A_28 = vector.load %arg2[%get3A_26, %get3A_27] : memref<8192x32xf32, #tpu.memory_space<vmem>>, vector<2048x32xf32>
    %dot_general3A_29 = arith.constant dense<0.000000e+00> : vector<2048x1024xf32>
    %dot_general3A_30 = tpu.matmul %get3A_28, %transpose3A, %dot_general3A_29 {dimension_numbers = #tpu.dot_dimension_numbers<[1], [0], [0], [1], [0, 0, 1, 1], [], []>, transpose_lhs_hint = false} : vector<2048x32xf32>, vector<32x1024xf32>, vector<2048x1024xf32> -> vector<2048x1024xf32>
    %get3A_31 = arith.constant 2048 : index
    %get3A_32 = arith.constant 0 : index
    %get3A_33 = vector.load %arg4[%get3A_31, %get3A_32] : memref<8192x1xf32, #tpu.memory_space<vmem>>, vector<2048x1xf32>
    %add3A_34 = vector.broadcast %get3A_4 : vector<1x1024xf32> to vector<2048x1024xf32>
    %add3A_35 = vector.broadcast %get3A_33 : vector<2048x1xf32> to vector<2048x1024xf32>
    %add3A_36 = arith.addf %add3A_34, %add3A_35 : vector<2048x1024xf32>
    %sub3A_37 = arith.subf %add3A_36, %dot_general3A_30 : vector<2048x1024xf32>
    %reduce_min3A_38 = arith.constant dense<0x7F800000> : vector<1024xf32>
    %reduce_min3A_39 = vector.multi_reduction <minimumf>, %sub3A_37, %reduce_min3A_38 [0] : vector<2048x1024xf32> to vector<1024xf32>
    %broadcast_in_dim3A_40 = vector.shape_cast %reduce_min3A_39 : vector<1024xf32> to vector<1x1024xf32>
    %eq3A_41 = vector.broadcast %broadcast_in_dim3A_40 : vector<1x1024xf32> to vector<2048x1024xf32>
    %eq3A_42 = arith.cmpf oeq, %sub3A_37, %eq3A_41 : vector<2048x1024xf32>
    %jit3A_43 = arith.constant 2.048000e+03 : f32
    %broadcast_in_dim3A_44 = vector.broadcast %jit3A_43 : f32 to vector<2048x1024xf32>
    %select_n3A_45 = arith.select %eq3A_42, %convert_element_type3A, %broadcast_in_dim3A_44 : vector<2048x1024xi1>, vector<2048x1024xf32>
    %reduce_min3A_46 = arith.constant dense<0x7F800000> : vector<1024xf32>
    %reduce_min3A_47 = vector.multi_reduction <minimumf>, %select_n3A_45, %reduce_min3A_46 [0] : vector<2048x1024xf32> to vector<1024xf32>
    %broadcast_in_dim3A_48 = vector.shape_cast %reduce_min3A_47 : vector<1024xf32> to vector<1x1024xf32>
    %convert_element_type3A_49 = arith.fptosi %broadcast_in_dim3A_48 : vector<1x1024xf32> to vector<1x1024xi32>
    %add3A_50 = arith.constant 2048 : i32
    %add3A_51 = vector.broadcast %add3A_50 : i32 to vector<1x1024xi32>
    %add3A_52 = arith.addi %convert_element_type3A_49, %add3A_51 : vector<1x1024xi32>
    %lt3A = arith.cmpf olt, %broadcast_in_dim3A_40, %convert_element_type3A_25 : vector<1x1024xf32>
    %eq3A_53 = arith.cmpf oeq, %broadcast_in_dim3A_40, %convert_element_type3A_25 : vector<1x1024xf32>
    %lt3A_54 = arith.cmpi slt, %add3A_52, %add3A_23 : vector<1x1024xi32>
    %and3A = arith.andi %eq3A_53, %lt3A_54 : vector<1x1024xi1>
    %or3A = arith.ori %lt3A, %and3A : vector<1x1024xi1>
    %select_n3A_55 = arith.select %or3A, %add3A_52, %add3A_23 : vector<1x1024xi1>, vector<1x1024xi32>
    %select_n3A_56 = arith.select %or3A, %broadcast_in_dim3A_40, %broadcast_in_dim3A : vector<1x1024xi1>, vector<1x1024xf32>
    %select_n3A_57 = arith.select %or3A, %broadcast_in_dim3A_40, %convert_element_type3A_25 : vector<1x1024xi1>, vector<1x1024xf32>
    %convert_element_type3A_58 = arith.truncf %select_n3A_57 : vector<1x1024xf32> to vector<1x1024xbf16>
    %convert_element_type3A_59 = arith.extf %convert_element_type3A_58 : vector<1x1024xbf16> to vector<1x1024xf32>
    %get3A_60 = arith.constant 4096 : index
    %get3A_61 = arith.constant 0 : index
    %get3A_62 = vector.load %arg2[%get3A_60, %get3A_61] : memref<8192x32xf32, #tpu.memory_space<vmem>>, vector<2048x32xf32>
    %dot_general3A_63 = arith.constant dense<0.000000e+00> : vector<2048x1024xf32>
    %dot_general3A_64 = tpu.matmul %get3A_62, %transpose3A, %dot_general3A_63 {dimension_numbers = #tpu.dot_dimension_numbers<[1], [0], [0], [1], [0, 0, 1, 1], [], []>, transpose_lhs_hint = false} : vector<2048x32xf32>, vector<32x1024xf32>, vector<2048x1024xf32> -> vector<2048x1024xf32>
    %get3A_65 = arith.constant 4096 : index
    %get3A_66 = arith.constant 0 : index
    %get3A_67 = vector.load %arg4[%get3A_65, %get3A_66] : memref<8192x1xf32, #tpu.memory_space<vmem>>, vector<2048x1xf32>
    %add3A_68 = vector.broadcast %get3A_4 : vector<1x1024xf32> to vector<2048x1024xf32>
    %add3A_69 = vector.broadcast %get3A_67 : vector<2048x1xf32> to vector<2048x1024xf32>
    %add3A_70 = arith.addf %add3A_68, %add3A_69 : vector<2048x1024xf32>
    %sub3A_71 = arith.subf %add3A_70, %dot_general3A_64 : vector<2048x1024xf32>
    %reduce_min3A_72 = arith.constant dense<0x7F800000> : vector<1024xf32>
    %reduce_min3A_73 = vector.multi_reduction <minimumf>, %sub3A_71, %reduce_min3A_72 [0] : vector<2048x1024xf32> to vector<1024xf32>
    %broadcast_in_dim3A_74 = vector.shape_cast %reduce_min3A_73 : vector<1024xf32> to vector<1x1024xf32>
    %eq3A_75 = vector.broadcast %broadcast_in_dim3A_74 : vector<1x1024xf32> to vector<2048x1024xf32>
    %eq3A_76 = arith.cmpf oeq, %sub3A_71, %eq3A_75 : vector<2048x1024xf32>
    %jit3A_77 = arith.constant 2.048000e+03 : f32
    %broadcast_in_dim3A_78 = vector.broadcast %jit3A_77 : f32 to vector<2048x1024xf32>
    %select_n3A_79 = arith.select %eq3A_76, %convert_element_type3A, %broadcast_in_dim3A_78 : vector<2048x1024xi1>, vector<2048x1024xf32>
    %reduce_min3A_80 = arith.constant dense<0x7F800000> : vector<1024xf32>
    %reduce_min3A_81 = vector.multi_reduction <minimumf>, %select_n3A_79, %reduce_min3A_80 [0] : vector<2048x1024xf32> to vector<1024xf32>
    %broadcast_in_dim3A_82 = vector.shape_cast %reduce_min3A_81 : vector<1024xf32> to vector<1x1024xf32>
    %convert_element_type3A_83 = arith.fptosi %broadcast_in_dim3A_82 : vector<1x1024xf32> to vector<1x1024xi32>
    %add3A_84 = arith.constant 4096 : i32
    %add3A_85 = vector.broadcast %add3A_84 : i32 to vector<1x1024xi32>
    %add3A_86 = arith.addi %convert_element_type3A_83, %add3A_85 : vector<1x1024xi32>
    %lt3A_87 = arith.cmpf olt, %broadcast_in_dim3A_74, %convert_element_type3A_59 : vector<1x1024xf32>
    %eq3A_88 = arith.cmpf oeq, %broadcast_in_dim3A_74, %convert_element_type3A_59 : vector<1x1024xf32>
    %lt3A_89 = arith.cmpi slt, %add3A_86, %select_n3A_55 : vector<1x1024xi32>
    %and3A_90 = arith.andi %eq3A_88, %lt3A_89 : vector<1x1024xi1>
    %or3A_91 = arith.ori %lt3A_87, %and3A_90 : vector<1x1024xi1>
    %select_n3A_92 = arith.select %or3A_91, %add3A_86, %select_n3A_55 : vector<1x1024xi1>, vector<1x1024xi32>
    %select_n3A_93 = arith.select %or3A_91, %broadcast_in_dim3A_74, %select_n3A_56 : vector<1x1024xi1>, vector<1x1024xf32>
    %select_n3A_94 = arith.select %or3A_91, %broadcast_in_dim3A_74, %convert_element_type3A_59 : vector<1x1024xi1>, vector<1x1024xf32>
    %convert_element_type3A_95 = arith.truncf %select_n3A_94 : vector<1x1024xf32> to vector<1x1024xbf16>
    %convert_element_type3A_96 = arith.extf %convert_element_type3A_95 : vector<1x1024xbf16> to vector<1x1024xf32>
    %get3A_97 = arith.constant 6144 : index
    %get3A_98 = arith.constant 0 : index
    %get3A_99 = vector.load %arg2[%get3A_97, %get3A_98] : memref<8192x32xf32, #tpu.memory_space<vmem>>, vector<2048x32xf32>
    %dot_general3A_100 = arith.constant dense<0.000000e+00> : vector<2048x1024xf32>
    %dot_general3A_101 = tpu.matmul %get3A_99, %transpose3A, %dot_general3A_100 {dimension_numbers = #tpu.dot_dimension_numbers<[1], [0], [0], [1], [0, 0, 1, 1], [], []>, transpose_lhs_hint = false} : vector<2048x32xf32>, vector<32x1024xf32>, vector<2048x1024xf32> -> vector<2048x1024xf32>
    %get3A_102 = arith.constant 6144 : index
    %get3A_103 = arith.constant 0 : index
    %get3A_104 = vector.load %arg4[%get3A_102, %get3A_103] : memref<8192x1xf32, #tpu.memory_space<vmem>>, vector<2048x1xf32>
    %add3A_105 = vector.broadcast %get3A_4 : vector<1x1024xf32> to vector<2048x1024xf32>
    %add3A_106 = vector.broadcast %get3A_104 : vector<2048x1xf32> to vector<2048x1024xf32>
    %add3A_107 = arith.addf %add3A_105, %add3A_106 : vector<2048x1024xf32>
    %sub3A_108 = arith.subf %add3A_107, %dot_general3A_101 : vector<2048x1024xf32>
    %reduce_min3A_109 = arith.constant dense<0x7F800000> : vector<1024xf32>
    %reduce_min3A_110 = vector.multi_reduction <minimumf>, %sub3A_108, %reduce_min3A_109 [0] : vector<2048x1024xf32> to vector<1024xf32>
    %broadcast_in_dim3A_111 = vector.shape_cast %reduce_min3A_110 : vector<1024xf32> to vector<1x1024xf32>
    %eq3A_112 = vector.broadcast %broadcast_in_dim3A_111 : vector<1x1024xf32> to vector<2048x1024xf32>
    %eq3A_113 = arith.cmpf oeq, %sub3A_108, %eq3A_112 : vector<2048x1024xf32>
    %jit3A_114 = arith.constant 2.048000e+03 : f32
    %broadcast_in_dim3A_115 = vector.broadcast %jit3A_114 : f32 to vector<2048x1024xf32>
    %select_n3A_116 = arith.select %eq3A_113, %convert_element_type3A, %broadcast_in_dim3A_115 : vector<2048x1024xi1>, vector<2048x1024xf32>
    %reduce_min3A_117 = arith.constant dense<0x7F800000> : vector<1024xf32>
    %reduce_min3A_118 = vector.multi_reduction <minimumf>, %select_n3A_116, %reduce_min3A_117 [0] : vector<2048x1024xf32> to vector<1024xf32>
    %broadcast_in_dim3A_119 = vector.shape_cast %reduce_min3A_118 : vector<1024xf32> to vector<1x1024xf32>
    %convert_element_type3A_120 = arith.fptosi %broadcast_in_dim3A_119 : vector<1x1024xf32> to vector<1x1024xi32>
    %add3A_121 = arith.constant 6144 : i32
    %add3A_122 = vector.broadcast %add3A_121 : i32 to vector<1x1024xi32>
    %add3A_123 = arith.addi %convert_element_type3A_120, %add3A_122 : vector<1x1024xi32>
    %lt3A_124 = arith.cmpf olt, %broadcast_in_dim3A_111, %convert_element_type3A_96 : vector<1x1024xf32>
    %eq3A_125 = arith.cmpf oeq, %broadcast_in_dim3A_111, %convert_element_type3A_96 : vector<1x1024xf32>
    %lt3A_126 = arith.cmpi slt, %add3A_123, %select_n3A_92 : vector<1x1024xi32>
    %and3A_127 = arith.andi %eq3A_125, %lt3A_126 : vector<1x1024xi1>
    %or3A_128 = arith.ori %lt3A_124, %and3A_127 : vector<1x1024xi1>
    %select_n3A_129 = arith.select %or3A_128, %add3A_123, %select_n3A_92 : vector<1x1024xi1>, vector<1x1024xi32>
    %select_n3A_130 = arith.select %or3A_128, %broadcast_in_dim3A_111, %select_n3A_93 : vector<1x1024xi1>, vector<1x1024xf32>
    %broadcast_in_dim3A_131 = vector.shape_cast %select_n3A_129 : vector<1x1024xi32> to vector<1x1x1024xi32>
    %swap3A = arith.constant 0 : index
    %swap3A_132 = arith.constant 0 : index
    %swap3A_133 = arith.constant 0 : index
    %swap3A_134 = vector.load %arg5[%swap3A, %swap3A_132, %swap3A_133] : memref<1x1x1024xi32, #tpu.memory_space<vmem>>, vector<1x1x1024xi32>
    tpu.vector_store %arg5[%swap3A, %swap3A_132, %swap3A_133], %broadcast_in_dim3A_131 {strides = array<i32>} : memref<1x1x1024xi32, #tpu.memory_space<vmem>>, vector<1x1x1024xi32>,
    %reduce_sum3A = vector.shape_cast %select_n3A_130 : vector<1x1024xf32> to vector<1x1x1024xf32>
    %reduce_sum3A_135 = arith.constant dense<0.000000e+00> : vector<1xf32>
    %reduce_sum3A_136 = vector.multi_reduction <add>, %reduce_sum3A, %reduce_sum3A_135 [1, 2] : vector<1x1x1024xf32> to vector<1xf32>
    %reduce_sum3A_137 = vector.shape_cast %reduce_sum3A_136 : vector<1xf32> to vector<1x1x1xf32>
    %reduce_sum3A_138 = vector.extract %reduce_sum3A_137[0, 0, 0] : f32 from vector<1x1x1xf32>
    %swap3A_139 = arith.constant 0 : index
    %swap3A_140 = arith.constant 0 : index
    %swap3A_141 = arith.constant 0 : index
    %swap3A_142 = memref.load %arg6[%swap3A_139, %swap3A_140, %swap3A_141] : memref<1x1x1xf32, #tpu.memory_space<smem>>
    memref.store %reduce_sum3A_138, %arg6[%swap3A_139, %swap3A_140, %swap3A_141] : memref<1x1x1xf32, #tpu.memory_space<smem>>
    return
  }
  func.func @transform_0(%arg0: i32) -> (i32, i32) {
    %c0_i32 = arith.constant 0 : i32
    %c0_i32_0 = arith.constant 0 : i32
    return %arg0, %c0_i32 : i32, i32
  }
  func.func @transform_1(%arg0: i32) -> (i32, i32) {
    %c0_i32 = arith.constant 0 : i32
    %c0_i32_0 = arith.constant 0 : i32
    %c0_i32_1 = arith.constant 0 : i32
    return %c0_i32, %c0_i32_0 : i32, i32
  }
  func.func @transform_2(%arg0: i32) -> (i32, i32) {
    %c0_i32 = arith.constant 0 : i32
    %c0_i32_0 = arith.constant 0 : i32
    return %c0_i32, %arg0 : i32, i32
  }
  func.func @transform_3(%arg0: i32) -> (i32, i32) {
    %c0_i32 = arith.constant 0 : i32
    %c0_i32_0 = arith.constant 0 : i32
    %c0_i32_1 = arith.constant 0 : i32
    return %c0_i32, %c0_i32_0 : i32, i32
  }
  func.func @transform_4(%arg0: i32) -> (i32, i32, i32) {
    %c0_i32 = arith.constant 0 : i32
    %c0_i32_0 = arith.constant 0 : i32
    %c0_i32_1 = arith.constant 0 : i32
    return %arg0, %c0_i32, %c0_i32_0 : i32, i32, i32
  }
  func.func @transform_5(%arg0: i32) -> (i32, i32, i32) {
    %c0_i32 = arith.constant 0 : i32
    %c0_i32_0 = arith.constant 0 : i32
    %c0_i32_1 = arith.constant 0 : i32
    return %arg0, %c0_i32, %c0_i32_0 : i32, i32, i32
  }
}

</mosaic_0001>

<sc_bundles>
// kernel: kernel.4.cloned.1.call-start
scs
__scs_entry_jumppad:
0x0: {  	(pc) =	sbr.rel $0x88, $3  }
0x1: {  	(tag) =	ssettag $0x0;
	lr =	simm.s32 $0x1  }
0x2: {  	[smem:$0x3F9F] =	sst lr;
	_ =	strace $0xD0000000  }
0x3: {  	_ = 	snop  }
0x4: {  	_ = 	snop  }
0x5: {  	_ = 	snop  }
0x6: {  	_ = 	snop  }
0x7: {  	_ = 	snop  }
__scs_overlays_trampoline_lowered:
0x8: {  	[smem:$0x3FAE] =	sst s0  }
0x9: {  	[smem:$0x3FAF] =	sst s1  }
0xa: {  	[smem:$0x3FB0] =	sst s2  }
0xb: {  	[smem:$0x3FB1] =	sst s3  }
0xc: {  	[smem:$0x3FB2] =	sst s4  }
0xd: {  	[smem:$0x3FB3] =	sst s5  }
0xe: {  	[smem:$0x3FB4] =	sst s6  }
0xf: {  	[smem:$0x3FB5] =	sst s7  }
0x10: {  	[smem:$0x3FB6] =	sst s8  }
0x11: {  	[smem:$0x3FB7] =	sst s9;
	s0 =	simm.s32 @!p0 $0x0  }
0x12: {  	s1 =	sld [smem:$0x3F9D];
	s0 =	simm.s32 @p0 $0x1  }
0x13: {  	[smem:$0x3FB8] =	sst s0;
	s0 =	simm.s32 @!p1 $0x0  }
0x14: {  	s2 =	sld [smem:$0x3F9C];
	s0 =	simm.s32 @p1 $0x1  }
0x15: {  	[smem:$0x3FB9] =	sst s0;
	s0 =	simm.s32 @!p2 $0x0  }
0x16: {  	s3 =	sld [smem:$0x3FDB];
	s0 =	simm.s32 @p2 $0x1  }
0x17: {  	s4 =	simm.s32 $0x1BF5;
	[smem:$0x3FBB] =	sst s0  }
0x18: {  	s0 =	sld [smem:$0x3F9E];
	_ =	swait.ge [sflag:s4], $0x0  }
0x19: {  	s7 =	sld [smem:$0x3F9F]  }
0x1a: {  	s8 =	sadd.s32 $0xFFFFE003, lr  }
0x1b: {  	s9 =	sadd.s32 $0xFFFFFEF7, lr;
	s5 =	simm.s32 $0xFFFFFFFF;
	p2 =	slt.u32 s8, $0xFFFFF086  }
0x1c: {  	p1 =	slt.u32 s9, $0xF7A;
	s5 =	simm.s32 @!p2 $0x0  }
0x1d: {  	s5 =	simm.s32 @p1 $0x1;
	p0 =	seq.s32 s7, s2  }
0x1e: {  	s7 =	smul.u32 @!p0 $0xF7A, s2;
	p2 =	seq.s32 @!p0 s5, $0x0  }
0x1f: {  	s9 =	smul.u32 $0xF7A, s1;
	s8 =	simm.s32 @!p0 $0x1BF5;
	p2 =	por !p2, p0  }
0x20: {  	[sflag:s8] =	ssyncset.s32 @!p0 $0xFFFFF086;
	s6 =	sadd.s32 @!p0 s3, s7;
	s7 =	simm.s32 @!p0 $0x108  }
0x21: {  	s3 =	sadd.s32 s3, s9;
	s6 =	sadd.s32 @!p0 $0x88, s6;
	s7 =	simm.s32 @p2 $0x1082  }
0x22: {  	[simem:s7], [sflag:s8] =	dma.local @!p0 [hbm:s6], $0xF7A  }
0x23: {  	s9 =	sor.u32 $0xD0000000, s2;
	s6 =	simm.s32 $0x108;
	_ =	swait.ge @!p0 [sflag:s8], $0x0  }
0x24: {  	s3 =	sadd.s32 $0x88, s3;
	s6 =	simm.s32 @!p1 $0x1082;
	[sflag:s4] =	ssyncset.s32 $0xFFFFF086  }
0x25: {  	[simem:s6], [sflag:s4] =	dma.local [hbm:s3], $0xF7A  }
0x26: {  	[smem:$0x3F9F] =	sst s1;
	(tag) =	ssettag s2;
	_ =	strace s9  }
0x27: {  	s1 =	sld [smem:$0x3FAF]  }
0x28: {  	s2 =	sld [smem:$0x3FB0]  }
0x29: {  	s4 =	sld [smem:$0x3FB2]  }
0x2a: {  	p0 =	seq.s32 s5, $0x0;
	s5 =	sld [smem:$0x3FB3]  }
0x2b: {  	s6 =	sld [smem:$0x3FB4]  }
0x2c: {  	s7 =	sld [smem:$0x3FB5]  }
0x2d: {  	s3 =	simm.s32 $0x108;
	s8 =	sld [smem:$0x3FB6]  }
0x2e: {  	s3 =	simm.s32 @!p0 $0x1082;
	s9 =	sld [smem:$0x3FB7]  }
0x2f: {  	lr =	sadd.s32 s0, s3;
	s0 =	sld [smem:$0x3FAE]  }
0x30: {  	s3 =	sld [smem:$0x3FB1]  }
0x31: {  	[smem:$0x3FBA] =	sst s10  }
0x32: {  	s10 =	sld [smem:$0x3FB8];
	_ =	sdelay $0x3  }
0x33: {  	p0 =	seq.s32 s10, $0x1;
	s10 =	sld [smem:$0x3FBA];
	_ =	sdelay $0x3  }
0x34: {  	[smem:$0x3FBA] =	sst s10  }
0x35: {  	s10 =	sld [smem:$0x3FB9];
	_ =	sdelay $0x3  }
0x36: {  	p1 =	seq.s32 s10, $0x1;
	s10 =	sld [smem:$0x3FBA];
	_ =	sdelay $0x3  }
0x37: {  	[smem:$0x3FBA] =	sst s10  }
0x38: {  	s10 =	sld [smem:$0x3FBB]  }
0x39: {  	_ = 	snop;
	(pc) =	sbr.ind lr, $3  }
0x3a: {  	_ = 	snop  }
0x3b: {  	_ = 	snop  }
0x3c: {  	p2 =	seq.s32 s10, $0x1;
	s10 =	sld [smem:$0x3FBA]  }
0x3d: {  	_ =	shalt  }
0x3e: {  	_ =	shalt  }
0x3f: {  	_ =	shalt  }
0x40: {  	_ =	shalt  }
0x41: {  	_ =	shalt  }
0x42: {  	_ =	shalt  }
0x43: {  	_ =	shalt  }
0x44: {  	_ =	shalt  }
0x45: {  	_ =	shalt  }
0x46: {  	_ =	shalt  }
0x47: {  	_ =	shalt  }
0x48: {  	_ =	shalt  }
0x49: {  	_ =	shalt  }
0x4a: {  	_ =	shalt  }
0x4b: {  	_ =	shalt  }
0x4c: {  	_ =	shalt  }
0x4d: {  	_ =	shalt  }
0x4e: {  	_ =	shalt  }
0x4f: {  	_ =	shalt  }
0x50: {  	_ =	shalt  }
0x51: {  	_ =	shalt  }
0x52: {  	_ =	shalt  }
0x53: {  	_ =	shalt  }
0x54: {  	_ =	shalt  }
0x55: {  	_ =	shalt  }
0x56: {  	_ =	shalt  }
0x57: {  	_ =	shalt  }
0x58: {  	_ =	shalt  }
0x59: {  	_ =	shalt  }
0x5a: {  	_ =	shalt  }
0x5b: {  	_ =	shalt  }
0x5c: {  	_ =	shalt  }
0x5d: {  	_ =	shalt  }
0x5e: {  	_ =	shalt  }
0x5f: {  	_ =	shalt  }
0x60: {  	_ =	shalt  }
0x61: {  	_ =	shalt  }
0x62: {  	_ =	shalt  }
0x63: {  	_ =	shalt  }
0x64: {  	_ =	shalt  }
0x65: {  	_ =	shalt  }
0x66: {  	_ =	shalt  }
0x67: {  	_ =	shalt  }
0x68: {  	_ =	shalt  }
0x69: {  	_ =	shalt  }
0x6a: {  	_ =	shalt  }
0x6b: {  	_ =	shalt  }
0x6c: {  	_ =	shalt  }
0x6d: {  	_ =	shalt  }
0x6e: {  	_ =	shalt  }
0x6f: {  	_ =	shalt  }
0x70: {  	_ =	shalt  }
0x71: {  	_ =	shalt  }
0x72: {  	_ =	shalt  }
0x73: {  	_ =	shalt  }
0x74: {  	_ =	shalt  }
0x75: {  	_ =	shalt  }
0x76: {  	_ =	shalt  }
0x77: {  	_ =	shalt  }
0x78: {  	_ =	shalt  }
0x79: {  	_ =	shalt  }
0x7a: {  	_ =	shalt  }
0x7b: {  	_ =	shalt  }
0x7c: {  	_ =	shalt  }
0x7d: {  	_ =	shalt  }
0x7e: {  	_ =	shalt  }
0x7f: {  	_ =	shalt  }
0x80: {  	_ =	shalt  }
0x81: {  	_ =	shalt  }
0x82: {  	_ =	shalt  }
0x83: {  	_ =	shalt  }
0x84: {  	_ =	shalt  }
0x85: {  	_ =	shalt  }
0x86: {  	_ =	shalt  }
0x87: {  	_ =	shalt  }
.Lfunc_end0:
.L_simem_size_0:
called_computation_lowered:
.L_overlay_start_0:
0x88: {  	s2 =	sld [smem:$0x3FD9]  }
0x89: {  	s3 =	sld [smem:$0x3FFE];
	_ =	sdelay $0x1  }
0x8a: {  	s1 =	srdreg.scid  }
0x8b: {  	s0 =	sand.u32 $0x1, s1  }
0x8c: {  	s14 =	sshll.u32 s0, $0xA;
	s2 =	sadd.s32 s3, s2  }
0x8d: {  	s2 =	sadd.s32 s2, s14  }
0x8e: {  	[smem:$0x3FC6] =	sst s2  }
0x8f: {  	_ = 	snop  }
0x90: {  	s2 =	sld [smem:$0x3FD0];
	_ =	sdelay $0x2  }
0x91: {  	s15 =	simm.s32 $0xA;
	s4 =	simm.s32 $0x10  }
0x92: {  	[smem:s4], [sflag:s15] =	dma.local [hbm:s2], $0x1  }
0x93: {  	_ =	swait.eq [sflag:s15], $0x1  }
0x94: {  	[sflag:s15] =	ssyncset.done $0x0  }
0x95: {  	[sflag:s15] =	ssyncadd.s32 $0xFFFFFFFF  }
0x96: {  	s16 =	sld [smem:$0x10];
	(tm) =	ssettm $0x1  }
0x97: {  	s17 =	sld [smem:$0x3FFB];
	_ =	sdelay $0x3  }
0x98: {  	_ =	strace s17  }
0x99: {  	s3 =	sld [smem:$0x3FFC];
	_ =	sdelay $0x3  }
0x9a: {  	_ =	strace s3  }
0x9b: {  	s3 =	sld [smem:$0x3FFD];
	_ =	sdelay $0x3  }
0x9c: {  	_ =	strace s3  }
0x9d: {  	_ =	strace $0x8FFFFFFF  }
0x9e: {  	s18 =	sld [smem:$0x3FDB];
	_ =	sdelay $0x1  }
0x9f: {  	s19 =	simm.s32 $_scs_section_size  }
0xa0: {  	s5 =	simm.s32 $_size__tile_overlayer_lowered;
	s6 =	simm.s32 $_tile_overlayer_lowered  }
0xa1: {  	s22 =	simm.s32 $0x1BFF;
	s21 =	sshll.u32 s6, $0x1;
	s3 =	sadd.s32 s19, s18  }
0xa2: {  	s7 =	simm.s32 $0x0;
	s20 =	sshll.u32 s5, $0x1;
	s5 =	sadd.s32 s21, s3  }
0xa3: {  	[timem:s7], [sflag:s22] =	dma.local [hbm:s5], s20  }
0xa4: {  	_ =	swait.ge [sflag:s22], s20  }
0xa5: {  	s4 =	ssub.s32 $0x0, s20;
	[sflag:s22] =	ssyncset.done $0x0  }
0xa6: {  	[sflag:s22] =	ssyncadd.s32 s4;
	_ =	sdelay $0x1  }
0xa7: {  	s23 =	simm.s32 $0x1B8B  }
0xa8: {  	_ =	swait.ge [sflag:s23], $0x1  }
0xa9: {  	[sflag:s23] =	ssyncset.done $0x0  }
0xaa: {  	s25 =	simm.s32 $0x1B8E;
	s24 =	sld [smem:$0x3FFE];
	[sflag:s23] =	ssyncadd.s32 $0xFFFFFFFF  }
0xab: {  	s26 =	simm.s32 $execute0_lowered;
	[smem:$0x3FD2] =	sst s25  }
0xac: {  	s5 =	sshll.u32 s26, $0x1;
	_ =	strace $0x80000046;
	[dreg:$0x1] =	wrdreg $0xFFFFFFFF  }
0xad: {  	s28 =	simm.s32 $_size_execute0_lowered;
	s3 =	sadd.s32 s3, s5;
	[dreg:$0x0] =	wrdreg $0x0  }
0xae: {  	s5 =	sshll.u32 s28, $0x1;
	[dreg:$0x2] =	wrdreg s3  }
0xaf: {  	[dreg:$0x3] =	wrdreg s5  }
0xb0: {  	[dreg:$0x4] =	wrdreg $0xC0  }
0xb1: {  	_ =	task [dreg:s7], $0x5FFFF  }
0xb2: {  	[dreg:$0x1] =	wrdreg $0xFFFFFFFF  }
0xb3: {  	[dreg:$0x0] =	wrdreg $0x60  }
0xb4: {  	[dreg:$0x2] =	wrdreg s24  }
0xb5: {  	[dreg:$0x3] =	wrdreg s16  }
0xb6: {  	[dreg:$0x4] =	wrdreg $0x9  }
0xb7: {  	_ =	task.clear_ibuf [dreg:s7], $0x5FFFF;
	_ =	strace $0x90000046  }
0xb8: {  	s29 =	simm.s32 $0x9;
	_ =	strace $0x80000048  }
0xb9: {  	_ =	swait.ge [sflag:s29], $0x1  }
0xba: {  	[sflag:s29] =	ssyncadd.s32 $0xFFFFFFFF  }
0xbb: {  	_ =	strace $0x90000048  }
0xbc: {  	_ =	sfence  }
0xbd: {  	s30 =	sld [smem:$0x0];
	_ =	sdelay $0x2  }
0xbe: {  	s31 =	sshll.u32 s1, $0xD;
	s1 =	sshrl.u32 s1, $0x2  }
0xbf: {  	s3 =	sand.u32 $0x4000, s31;
	s1 =	sadd.s32 s1, s30  }
0xc0: {  	s0 =	sor.u32 s3, s0;
	s1 =	sshll.u32 s1, $0x11  }
0xc1: {  	s0 =	sor.u32 s1, s0  }
0xc2: {  	s0 =	sadd.s32 $0x8F2B, s0  }
0xc3: {  	[sflag:s0] =	ssyncadd.remote.s32 $0x1  }
0xc4: {  	_ =	sfence.sel $0xFFFF  }
0xc5: {  	[dreg:$0x0] =	wrdreg $0xFFFFFFFF;
	(pc) =	sbr.abs _section_cstart, $3  }
0xc6: {  	[dreg:$0x1] =	wrdreg $0xFFFFFFFF  }
0xc7: {  	_ =	task.clear_ibuf [dreg:s7], $0x2FFFF;
	_ =	strace $0x9FFFFFFF  }
0xc8: {  	(tm) =	ssettm $0x7FFFFFFF  }
0xc9: {  	_ =	shalt  }
tec
execute0_lowered:
.L_overlay_start_1:
0x0: {  	(tag) =	ssettag $0x1  }
0x1: {  	s1 =	srdreg.scid  }
0x2: {  	s0 =	stileid.u32;
	s10 =	sand.u32 $0x1, s1  }
0x3: {  	s2 =	rddreg [dreg:$0x0];
	s29 =	sshll.u32 s0, $0x9;
	s3 =	sshll.u32 s10, $0x8  }
0x4: {  	s11 =	rddreg [dreg:$0x1];
	s12 =	sor.u32 s3, s29  }
0x5: {  	s1 =	rddreg [dreg:$0x2];
	s3 =	simm.s32 $0x0;
	s4 =	sshrl.u32 s12, $0x3  }
0x6: {  	[smem:$0x7FF] =	sst s3;
	s4 =	sadd.s32 s4, s2  }
0x7: {  	_ =	strace $0x80000047;
	s5 =	sadd.s32 $0x20000, s4;
	s4 =	simm.s32 $0x2  }
0x8: {  	[tilespmem:s3], [sflag:$0x2] =	stream.linear.gather [hbm4b:s5+s3], $0x100, $0x38;
	[tilespmem:$0x8100] =	vst v63  }
0x9: {  	_ =	swait.ge [sflag:s4], $0x100  }
0xa: {  	[sflag:s4] =	ssyncset.done $0x0  }
0xb: {  	s6 =	simm.s32 $0x80;
	s7 =	simm.s32 $0x100;
	[sflag:s4] =	ssyncadd.s32 $0xFFFFFF00  }
0xc: {  	[tilespmem:s7], [sflag:$0x1] =	stream.indirect.gather [hbm4b:s2+s6], $0x80, s3, s6, $0xb8;
	[tilespmem:$0x8100] =	vst v63  }
0xd: {  	s8 =	simm.s32 $0x4100;
	s9 =	simm.s32 $0x1;
	s10 =	ssub.s32 $0x2, s10  }
0xe: {  	[tilespmem:s8], [sflag:$0x1] =	stream.indirect.gather [hbm4b:s2+s6], $0x80, s6, s6, $0xb8;
	[tilespmem:$0x8100] =	vst v63  }
0xf: {  	s13 =	sshrl.u32 s10, $0x1;
	_ =	swait.ge [sflag:s9], $0x4000  }
0x10: {  	s13 =	ssub.s32 s10, s13;
	[sflag:s9] =	ssyncset.done $0x0  }
0x11: {  	s31 =	smax.u32 s13, $0x1;
	[sflag:s9] =	ssyncadd.s32 $0xFFFFC000  }
0x12: {  	p0 =	sne.s32 s31, $0x1;
	_ =	swait.ge [sflag:s9], $0x4000  }
.Ltmp0:
0x13: {  	s30 =	sshll.u32 s12, $0x4;
	[sflag:s9] =	ssyncset.done $0x0;
	(pc) =	sbr.rel @!p0 .LBB2_2-.Ltmp0, $4  }
0x14: {  	s10 =	sadd.s32 s11, s30;
	[sflag:s9] =	ssyncadd.s32 $0xFFFFC000  }
0x15: {  	[hbm4b:s10+s3] =	stream.linear.scatter [tilespmem:s7], [sflag:$0x2], $0x8000, $0x38;
	[tilespmem:$0x8100] =	vst v63  }
0x16: {  	_ =	swait.ge [sflag:s4], $0x8000  }
0x17: {  	s11 =	sadd.s32 $0xFFFFFFFF, s31;
	[sflag:s4] =	ssyncset.done $0x0  }
.LBB2_1:
0x18: {  	p0 =	sne.s32 s11, $0x1;
	s11 =	sadd.s32 $0xFFFFFFFF, s11;
	[sflag:s4] =	ssyncadd.s32 $0xFFFF8000  }
0x19: {  	[tilespmem:s3], [sflag:$0x2] =	stream.linear.gather [hbm4b:s5+s3], $0x100, $0x38;
	[tilespmem:$0x8100] =	vst v63  }
0x1a: {  	_ =	swait.ge [sflag:s4], $0x100  }
0x1b: {  	[sflag:s4] =	ssyncset.done $0x0  }
0x1c: {  	[sflag:s4] =	ssyncadd.s32 $0xFFFFFF00  }
0x1d: {  	[tilespmem:s7], [sflag:$0x1] =	stream.indirect.gather [hbm4b:s2+s6], $0x80, s3, s6, $0xb8;
	[tilespmem:$0x8100] =	vst v63  }
0x1e: {  	_ = 	snop  }
0x1f: {  	[tilespmem:s8], [sflag:$0x1] =	stream.indirect.gather [hbm4b:s2+s6], $0x80, s6, s6, $0xb8;
	[tilespmem:$0x8100] =	vst v63  }
0x20: {  	_ =	swait.ge [sflag:s9], $0x4000  }
0x21: {  	[sflag:s9] =	ssyncset.done $0x0  }
0x22: {  	[sflag:s9] =	ssyncadd.s32 $0xFFFFC000  }
0x23: {  	_ =	swait.ge [sflag:s9], $0x4000  }
.Ltmp1:
0x24: {  	[sflag:s9] =	ssyncset.done $0x0;
	(pc) =	sbr.rel @p0 .LBB2_1-.Ltmp1, $4  }
0x25: {  	[sflag:s9] =	ssyncadd.s32 $0xFFFFC000  }
0x26: {  	[hbm4b:s10+s3] =	stream.linear.scatter [tilespmem:s7], [sflag:$0x2], $0x8000, $0x38;
	[tilespmem:$0x8100] =	vst v63  }
0x27: {  	_ =	swait.ge [sflag:s4], $0x8000  }
0x28: {  	[sflag:s4] =	ssyncset.done $0x0  }
.LBB2_2:
0x29: {  	[sflag:s4] =	ssyncadd.s32 $0xFFFF8000  }
0x2a: {  	_ =	sfence.sel $0x180000  }
0x2b: {  	[bflag:$0x0] =	sbarrier.arrive $0xFFFF  }
0x2c: {  	p0 =	sne.s32 s0, $0x0;
	_ =	strace $0x90000047  }
0x2d: {  	s0 =	sadd.s32 @!p0 $0x100000, s1;
	[bflag:$0x2] =	sbarrier.arrive $0xFFFF  }
0x2e: {  	[sflag:s0] =	ssyncadd.tile.s32 @!p0 $0x1;
	_ =	shalt  }
.Lfunc_end2:
_tile_overlayer_lowered:
.L_overlay_start_2:
0x2f: {  	(tag) =	ssettag $0x2  }
0x30: {  	s0 =	rddreg [dreg:$0x0];
	s2 =	stileid.u32  }
0x31: {  	s1 =	rddreg [dreg:$0x1];
	p0 =	sne.s32 s2, $0x0  }
0x32: {  	s3 =	rddreg [dreg:$0x2];
	[bflag:$0x3] =	sbarrier.arrive $0xFFFF;
	s2 =	simm.s32 @!p0 $0x1C02  }
0x33: {  	[timem:s3], [sflag:s2] =	dma.local @!p0 [hbm:s0], s1  }
0x34: {  	s0 =	simm.s32 @!p0 $0x2  }
0x35: {  	_ =	swait.ge @!p0 [sflag:s0], s1  }
0x36: {  	s1 =	ssub.s32 @!p0 $0x0, s1;
	[sflag:s0] =	ssyncset.done @!p0 $0x0  }
0x37: {  	[sflag:s0] =	ssyncadd.s32 @!p0 s1  }
0x38: {  	[bflag:$0x3] =	sbarrier.arrive $0xFFFF  }
0x39: {  	_ =	shalt  }

</sc_bundles>
